<compile_context>
chip_gen: v7x
topology: tpu7x:2x2x1
jax: 0.10.2.dev20260603
libtpu: 0.0.44.dev20260713+nightly
codegen_flags: <defaults>
</compile_context>

<pallas_src>
import functools

import jax
import jax.numpy as jnp
from jax import lax
from jax.experimental import pallas as pl
from jax.experimental.pallas import tpu as pltpu
from jax.experimental.pallas import tpu_sc as plsc

NUM_EMBEDDINGS = 1000000
EMBED_DIM = 32
BATCH = 16384
HIST_LEN = 50

_B = BATCH * HIST_LEN
_NC = 2
_NS = 16
_NW = _NC * _NS
_PER_W = _B // _NW
_K = 4
_CHUNK = 640
_STEPS = _PER_W // (_K * _CHUNK)


def _make_sc_gather():
    mesh = plsc.VectorSubcoreMesh(core_axis_name="c", subcore_axis_name="s")

    @functools.partial(
        pl.kernel,
        mesh=mesh,
        out_type=jax.ShapeDtypeStruct((_B, EMBED_DIM), jnp.float32),
        scratch_types=[
            pltpu.VMEM((_PER_W,), jnp.int32),
            pltpu.VMEM((_K, _CHUNK, EMBED_DIM), jnp.float32),
            pltpu.SemaphoreType.DMA,
            pltpu.SemaphoreType.DMA,
            pltpu.SemaphoreType.DMA,
            pltpu.SemaphoreType.DMA,
        ],
        compiler_params=pltpu.CompilerParams(use_tc_tiling_on_sc=False),
    )
    def gather_kernel(idx_hbm, table_hbm, out_hbm, idx_v, rows_v, s0, s1, s2, s3):
        wid = lax.axis_index("s") * _NC + lax.axis_index("c")
        base = wid * _PER_W
        sems = [s0, s1, s2, s3]

        pltpu.sync_copy(idx_hbm.at[pl.ds(base, _PER_W)], idx_v)

        def xf(j, c):
            v = idx_v[pl.ds(j * 16, 16)]
            idx_v[pl.ds(j * 16, 16)] = (
                lax.shift_left(lax.shift_right_logical(v, 13), 13)
                + lax.shift_left(jnp.bitwise_and(v, 2047), 2)
                + jnp.bitwise_and(lax.shift_right_logical(v, 11), 3))
            return c

        lax.fori_loop(0, _PER_W // 16, xf, 0)

        def step(i, carry):
            offs = i * (_K * _CHUNK)
            handles = [
                pltpu.async_copy(
                    table_hbm.at[idx_v.at[pl.ds(offs + k * _CHUNK, _CHUNK)]],
                    rows_v.at[k],
                    sems[k],
                )
                for k in range(_K)
            ]
            for k in range(_K):
                handles[k].wait()
                pltpu.sync_copy(
                    rows_v.at[k],
                    out_hbm.at[pl.ds(base + offs + k * _CHUNK, _CHUNK)],
                )
            return carry

        lax.fori_loop(0, _STEPS, step, 0)

    return gather_kernel


_gather = _make_sc_gather()

_K1_COLS = 8192
_K1_SUB = _K1_COLS // 4
_K1_GRID = -(-NUM_EMBEDDINGS // _K1_COLS)
_R_ROWS = _K1_GRID * _K1_SUB


def _repack_body(x_ref, o_ref):
    x = x_ref[...]
    for a in range(4):
        o_ref[:, 32 * a:32 * (a + 1)] = x[:, _K1_SUB * a:_K1_SUB * (a + 1)].T


_repack = pl.pallas_call(
    _repack_body,
    grid=(_K1_GRID,),
    in_specs=[pl.BlockSpec((EMBED_DIM, _K1_COLS), lambda j: (0, j))],
    out_specs=pl.BlockSpec((_K1_SUB, 128), lambda j: (j, 0)),
    out_shape=jax.ShapeDtypeStruct((_R_ROWS, 128), jnp.float32),
)


_BQ = BATCH // 4


def _finish_body(x_ref, o_ref):
    x = x_ref[...]
    for a in range(4):
        o_ref[0, :, _BQ * a:_BQ * (a + 1)] = x[:, 32 * a:32 * (a + 1)].T


_finish = pl.pallas_call(
    _finish_body,
    grid=(HIST_LEN,),
    in_specs=[pl.BlockSpec((_BQ, 128), lambda h: (h, 0))],
    out_specs=pl.BlockSpec((1, EMBED_DIM, BATCH), lambda h: (h, 0, 0)),
    out_shape=jax.ShapeDtypeStruct((HIST_LEN, EMBED_DIM, BATCH), jnp.float32),
)


@jax.jit
def kernel(x, emb):
    idx = (x.T.reshape(HIST_LEN, 4, _BQ).transpose(0, 2, 1)
           .reshape(_B).astype(jnp.int32))
    packed = _repack(emb.T)
    emb_lin = packed.reshape(4 * _R_ROWS, EMBED_DIM)
    out = _gather(idx, emb_lin)
    t = _finish(out.reshape(HIST_LEN * _BQ, 4 * EMBED_DIM))
    return jnp.transpose(t, (2, 0, 1))

# --- scband reference (transcript-rebuilt; emitter-appended) ---
"""Pipeline reference for scband-looking-up-58729382805971 (READ-ONLY COPY).

The authoritative reference and input builder live on the scoring server;
editing this copy changes nothing except your own understanding.
"""

import jax, jax.numpy as jnp
import numpy as np

NUM_EMBEDDINGS = 1000000
EMBED_DIM = 32
BATCH = 16384
HIST_LEN = 50


def setup_inputs(seed: int = 0) -> dict:
    key = jax.random.key(seed)
    k_idx, k_emb = jax.random.split(key)
    x = jax.random.randint(k_idx, (BATCH, HIST_LEN), 0, NUM_EMBEDDINGS, dtype=jnp.int64 if jax.config.jax_enable_x64 else jnp.int32)
    emb = jax.random.normal(k_emb, (NUM_EMBEDDINGS, EMBED_DIM), dtype=jnp.float32)
    return {"x": x, "emb": emb}


def reference(x, emb):
    # tf.nn.embedding_lookup(emb, x) -> gather rows of emb by x
    session_emb = jnp.take(emb, x, axis=0)
    return session_emb

if __name__ == "__main__":
    import jax
    _d = setup_inputs()
    print(jax.jit(kernel)(*tuple(_d.values())))

</pallas_src>

<mosaic_0001>
#map = affine_map<(d0, d1) -> (0)>
#map1 = affine_map<(d0, d1) -> (0, 0)>
module attributes {stable_mosaic.version = 14 : i64} {
  func.func @gather_kernel(%arg0: i32, %arg1: i32, %arg2: memref<819200xi32, #tpu.memory_space<hbm>>, %arg3: memref<1007616x32xf32, #tpu.memory_space<hbm>>, %arg4: memref<819200x32xf32, #tpu.memory_space<hbm>>, %arg5: memref<25600xi32, #tpu.memory_space<vmem>>, %arg6: memref<4x640x32xf32, #tpu.memory_space<vmem>>, %arg7: memref<!tpu.dma_semaphore, #tpu.memory_space<semaphore_mem>>, %arg8: memref<!tpu.dma_semaphore, #tpu.memory_space<semaphore_mem>>, %arg9: memref<!tpu.dma_semaphore, #tpu.memory_space<semaphore_mem>>, %arg10: memref<!tpu.dma_semaphore, #tpu.memory_space<semaphore_mem>>) attributes {dimension_semantics = [#tpu.dimension_semantics<core_parallel>, #tpu.dimension_semantics<subcore_parallel>], iteration_bounds = array<i64: 2, 16>, scalar_prefetch = 0 : i64, scratch_operands = 6 : i64, tpu.core_type = #tpu.core_type<sc_vector_subcore>, window_params = [{transform_indices = #map}, {transform_indices = #map1}, {transform_indices = #map1}]} {
    %mul3A = arith.constant 2 : i32
    %mul3A_0 = arith.muli %arg1, %mul3A : i32
    %add3A = arith.addi %mul3A_0, %arg0 : i32
    %mul3A_1 = arith.constant 25600 : i32
    %mul3A_2 = arith.muli %add3A, %mul3A_1 : i32
    "tpu.region"() ({
      %run_scoped3A = tpu.sem_alloc : memref<!tpu.dma_semaphore, #tpu.memory_space<semaphore_mem>>
      %dma_start3A = tpu.memref_slice %arg2[%mul3A_2] : memref<819200xi32, #tpu.memory_space<hbm>> -> memref<25600xi32, #tpu.memory_space<hbm>>
      %dma_start3A_14 = tpu.memref_slice %arg2[%mul3A_2] : memref<819200xi32, #tpu.memory_space<hbm>> -> memref<25600xi32, #tpu.memory_space<hbm>>
      tpu.enqueue_dma source(%dma_start3A_14 : memref<25600xi32, #tpu.memory_space<hbm>>) target(%arg5 : memref<25600xi32, #tpu.memory_space<vmem>>) target_semaphore(%run_scoped3A : memref<!tpu.dma_semaphore, #tpu.memory_space<semaphore_mem>>)
      %dma_wait3A = tpu.memref_slice %arg2[%mul3A_2] : memref<819200xi32, #tpu.memory_space<hbm>> -> memref<25600xi32, #tpu.memory_space<hbm>>
      %dma_wait3A_15 = tpu.memref_slice %arg2[%mul3A_2] : memref<819200xi32, #tpu.memory_space<hbm>> -> memref<25600xi32, #tpu.memory_space<hbm>>
      tpu.wait_dma2 semaphore(%run_scoped3A : memref<!tpu.dma_semaphore, #tpu.memory_space<semaphore_mem>>) src(%dma_wait3A_15 : memref<25600xi32, #tpu.memory_space<hbm>>) dst(%arg5 : memref<25600xi32, #tpu.memory_space<vmem>>)
      tpu.yield
    }) : () -> ()
    %scan3A = arith.constant 0 : i32
    %scan3A_3 = arith.constant 0 : i32
    %scan3A_4 = arith.constant 1600 : i32
    %scan3A_5 = arith.addi %scan3A_3, %scan3A_4 : i32
    %scan3A_6 = arith.constant 1 : i32
    scf.for %scan3A_14 = %scan3A_3 to %scan3A_5 step %scan3A_6  : i32 {
      %mul3A_15 = arith.constant 16 : i32
      %mul3A_16 = arith.muli %scan3A_14, %mul3A_15 : i32
      %get3A = arith.index_cast %mul3A_16 : i32 to index
      %get3A_17 = tpu.vector_load %arg5[%get3A] {strides = array<i32>} : memref<25600xi32, #tpu.memory_space<vmem>>, vector<16xi32>,
      %get3A_18 = vector.shape_cast %get3A_17 : vector<16xi32> to vector<16xi32>
      %shift_right_logical3A = arith.constant 13 : i32
      %shift_right_logical3A_19 = vector.broadcast %shift_right_logical3A : i32 to vector<16xi32>
      %shift_right_logical3A_20 = arith.shrui %get3A_18, %shift_right_logical3A_19 : vector<16xi32>
      %shift_left3A = arith.constant 13 : i32
      %shift_left3A_21 = vector.broadcast %shift_left3A : i32 to vector<16xi32>
      %shift_left3A_22 = arith.shli %shift_right_logical3A_20, %shift_left3A_21 : vector<16xi32>
      %and3A = arith.constant 2047 : i32
      %and3A_23 = vector.broadcast %and3A : i32 to vector<16xi32>
      %and3A_24 = arith.andi %get3A_18, %and3A_23 : vector<16xi32>
      %shift_left3A_25 = arith.constant 2 : i32
      %shift_left3A_26 = vector.broadcast %shift_left3A_25 : i32 to vector<16xi32>
      %shift_left3A_27 = arith.shli %and3A_24, %shift_left3A_26 : vector<16xi32>
      %add3A_28 = arith.addi %shift_left3A_22, %shift_left3A_27 : vector<16xi32>
      %shift_right_logical3A_29 = arith.constant 11 : i32
      %shift_right_logical3A_30 = vector.broadcast %shift_right_logical3A_29 : i32 to vector<16xi32>
      %shift_right_logical3A_31 = arith.shrui %get3A_18, %shift_right_logical3A_30 : vector<16xi32>
      %and3A_32 = arith.constant 3 : i32
      %and3A_33 = vector.broadcast %and3A_32 : i32 to vector<16xi32>
      %and3A_34 = arith.andi %shift_right_logical3A_31, %and3A_33 : vector<16xi32>
      %add3A_35 = arith.addi %add3A_28, %and3A_34 : vector<16xi32>
      %mul3A_36 = arith.constant 16 : i32
      %mul3A_37 = arith.muli %scan3A_14, %mul3A_36 : i32
      %swap3A = arith.index_cast %mul3A_37 : i32 to index
      %swap3A_38 = tpu.vector_load %arg5[%swap3A] {strides = array<i32>} : memref<25600xi32, #tpu.memory_space<vmem>>, vector<16xi32>,
      %swap3A_39 = vector.shape_cast %swap3A_38 : vector<16xi32> to vector<16xi32>
      %swap3A_40 = vector.shape_cast %add3A_35 : vector<16xi32> to vector<16xi32>
      tpu.vector_store %arg5[%swap3A], %swap3A_40 {strides = array<i32>} : memref<25600xi32, #tpu.memory_space<vmem>>, vector<16xi32>,
    }
    %scan3A_7 = arith.constant 1600 : i32
    %scan3A_8 = arith.constant 0 : i32
    %scan3A_9 = arith.constant 0 : i32
    %scan3A_10 = arith.constant 10 : i32
    %scan3A_11 = arith.addi %scan3A_9, %scan3A_10 : i32
    %scan3A_12 = arith.constant 1 : i32
    scf.for %scan3A_14 = %scan3A_9 to %scan3A_11 step %scan3A_12  : i32 {
      %mul3A_15 = arith.constant 2560 : i32
      %mul3A_16 = arith.muli %scan3A_14, %mul3A_15 : i32
      %add3A_17 = arith.constant 0 : i32
      %add3A_18 = arith.addi %mul3A_16, %add3A_17 : i32
      %dma_start3A = arith.constant 0 : i32
      %dma_start3A_19 = arith.constant 0 : i32
      %dma_start3A_20 = arith.constant 0 : i32
      %dma_start3A_21 = tpu.memref_slice %arg6[%dma_start3A, %dma_start3A_19, %dma_start3A_20] : memref<4x640x32xf32, #tpu.memory_space<vmem>> -> memref<1x640x32xf32, #tpu.memory_space<vmem>>
      %dma_start3A_22 = tpu.memref_squeeze %dma_start3A_21 : memref<1x640x32xf32, #tpu.memory_space<vmem>> -> memref<640x32xf32, #tpu.memory_space<vmem>>
      %dma_start3A_23 = tpu.memref_slice %arg5[%add3A_18] : memref<25600xi32, #tpu.memory_space<vmem>> -> memref<640xi32, #tpu.memory_space<vmem>>
      %dma_start3A_24 = arith.constant 0 : i32
      %dma_start3A_25 = arith.constant 0 : i32
      %dma_start3A_26 = tpu.memref_slice %arg3[%dma_start3A_24, %dma_start3A_25] : memref<1007616x32xf32, #tpu.memory_space<hbm>> -> memref<1007616x32xf32, #tpu.memory_space<hbm>>
      tpu.enqueue_indirect_dma source(%dma_start3A_26 : memref<1007616x32xf32, #tpu.memory_space<hbm>>) target(%dma_start3A_22 : memref<640x32xf32, #tpu.memory_space<vmem>>) offsets(%dma_start3A_23 : memref<640xi32, #tpu.memory_space<vmem>>) semaphore(%arg7 : memref<!tpu.dma_semaphore, #tpu.memory_space<semaphore_mem>>)
      %add3A_27 = arith.constant 640 : i32
      %add3A_28 = arith.addi %mul3A_16, %add3A_27 : i32
      %dma_start3A_29 = arith.constant 1 : i32
      %dma_start3A_30 = arith.constant 0 : i32
      %dma_start3A_31 = arith.constant 0 : i32
      %dma_start3A_32 = tpu.memref_slice %arg6[%dma_start3A_29, %dma_start3A_30, %dma_start3A_31] : memref<4x640x32xf32, #tpu.memory_space<vmem>> -> memref<1x640x32xf32, #tpu.memory_space<vmem>>
      %dma_start3A_33 = tpu.memref_squeeze %dma_start3A_32 : memref<1x640x32xf32, #tpu.memory_space<vmem>> -> memref<640x32xf32, #tpu.memory_space<vmem>>
      %dma_start3A_34 = tpu.memref_slice %arg5[%add3A_28] : memref<25600xi32, #tpu.memory_space<vmem>> -> memref<640xi32, #tpu.memory_space<vmem>>
      %dma_start3A_35 = arith.constant 0 : i32
      %dma_start3A_36 = arith.constant 0 : i32
      %dma_start3A_37 = tpu.memref_slice %arg3[%dma_start3A_35, %dma_start3A_36] : memref<1007616x32xf32, #tpu.memory_space<hbm>> -> memref<1007616x32xf32, #tpu.memory_space<hbm>>
      tpu.enqueue_indirect_dma source(%dma_start3A_37 : memref<1007616x32xf32, #tpu.memory_space<hbm>>) target(%dma_start3A_33 : memref<640x32xf32, #tpu.memory_space<vmem>>) offsets(%dma_start3A_34 : memref<640xi32, #tpu.memory_space<vmem>>) semaphore(%arg8 : memref<!tpu.dma_semaphore, #tpu.memory_space<semaphore_mem>>)
      %add3A_38 = arith.constant 1280 : i32
      %add3A_39 = arith.addi %mul3A_16, %add3A_38 : i32
      %dma_start3A_40 = arith.constant 2 : i32
      %dma_start3A_41 = arith.constant 0 : i32
      %dma_start3A_42 = arith.constant 0 : i32
      %dma_start3A_43 = tpu.memref_slice %arg6[%dma_start3A_40, %dma_start3A_41, %dma_start3A_42] : memref<4x640x32xf32, #tpu.memory_space<vmem>> -> memref<1x640x32xf32, #tpu.memory_space<vmem>>
      %dma_start3A_44 = tpu.memref_squeeze %dma_start3A_43 : memref<1x640x32xf32, #tpu.memory_space<vmem>> -> memref<640x32xf32, #tpu.memory_space<vmem>>
      %dma_start3A_45 = tpu.memref_slice %arg5[%add3A_39] : memref<25600xi32, #tpu.memory_space<vmem>> -> memref<640xi32, #tpu.memory_space<vmem>>
      %dma_start3A_46 = arith.constant 0 : i32
      %dma_start3A_47 = arith.constant 0 : i32
      %dma_start3A_48 = tpu.memref_slice %arg3[%dma_start3A_46, %dma_start3A_47] : memref<1007616x32xf32, #tpu.memory_space<hbm>> -> memref<1007616x32xf32, #tpu.memory_space<hbm>>
      tpu.enqueue_indirect_dma source(%dma_start3A_48 : memref<1007616x32xf32, #tpu.memory_space<hbm>>) target(%dma_start3A_44 : memref<640x32xf32, #tpu.memory_space<vmem>>) offsets(%dma_start3A_45 : memref<640xi32, #tpu.memory_space<vmem>>) semaphore(%arg9 : memref<!tpu.dma_semaphore, #tpu.memory_space<semaphore_mem>>)
      %add3A_49 = arith.constant 1920 : i32
      %add3A_50 = arith.addi %mul3A_16, %add3A_49 : i32
      %dma_start3A_51 = arith.constant 3 : i32
      %dma_start3A_52 = arith.constant 0 : i32
      %dma_start3A_53 = arith.constant 0 : i32
      %dma_start3A_54 = tpu.memref_slice %arg6[%dma_start3A_51, %dma_start3A_52, %dma_start3A_53] : memref<4x640x32xf32, #tpu.memory_space<vmem>> -> memref<1x640x32xf32, #tpu.memory_space<vmem>>
      %dma_start3A_55 = tpu.memref_squeeze %dma_start3A_54 : memref<1x640x32xf32, #tpu.memory_space<vmem>> -> memref<640x32xf32, #tpu.memory_space<vmem>>
      %dma_start3A_56 = tpu.memref_slice %arg5[%add3A_50] : memref<25600xi32, #tpu.memory_space<vmem>> -> memref<640xi32, #tpu.memory_space<vmem>>
      %dma_start3A_57 = arith.constant 0 : i32
      %dma_start3A_58 = arith.constant 0 : i32
      %dma_start3A_59 = tpu.memref_slice %arg3[%dma_start3A_57, %dma_start3A_58] : memref<1007616x32xf32, #tpu.memory_space<hbm>> -> memref<1007616x32xf32, #tpu.memory_space<hbm>>
      tpu.enqueue_indirect_dma source(%dma_start3A_59 : memref<1007616x32xf32, #tpu.memory_space<hbm>>) target(%dma_start3A_55 : memref<640x32xf32, #tpu.memory_space<vmem>>) offsets(%dma_start3A_56 : memref<640xi32, #tpu.memory_space<vmem>>) semaphore(%arg10 : memref<!tpu.dma_semaphore, #tpu.memory_space<semaphore_mem>>)
      %dma_wait3A = arith.constant 0 : i32
      %dma_wait3A_60 = arith.constant 0 : i32
      %dma_wait3A_61 = arith.constant 0 : i32
      %dma_wait3A_62 = tpu.memref_slice %arg6[%dma_wait3A, %dma_wait3A_60, %dma_wait3A_61] : memref<4x640x32xf32, #tpu.memory_space<vmem>> -> memref<1x640x32xf32, #tpu.memory_space<vmem>>
      %dma_wait3A_63 = tpu.memref_squeeze %dma_wait3A_62 : memref<1x640x32xf32, #tpu.memory_space<vmem>> -> memref<640x32xf32, #tpu.memory_space<vmem>>
      %dma_wait3A_64 = tpu.memref_slice %arg5[%add3A_18] : memref<25600xi32, #tpu.memory_space<vmem>> -> memref<640xi32, #tpu.memory_space<vmem>>
      %dma_wait3A_65 = arith.constant 0 : i32
      %dma_wait3A_66 = arith.constant 0 : i32
      %dma_wait3A_67 = tpu.memref_slice %arg3[%dma_wait3A_65, %dma_wait3A_66] : memref<1007616x32xf32, #tpu.memory_space<hbm>> -> memref<1007616x32xf32, #tpu.memory_space<hbm>>
      tpu.wait_indirect_dma semaphore(%arg7 : memref<!tpu.dma_semaphore, #tpu.memory_space<semaphore_mem>>) src(%dma_wait3A_67 : memref<1007616x32xf32, #tpu.memory_space<hbm>>) dst(%dma_wait3A_63 : memref<640x32xf32, #tpu.memory_space<vmem>>)
      %add3A_68 = arith.addi %mul3A_2, %mul3A_16 : i32
      %add3A_69 = arith.constant 0 : i32
      %add3A_70 = arith.addi %add3A_68, %add3A_69 : i32
      %run_scoped3A = arith.constant 0 : i32
      "tpu.region"() ({
        %run_scoped3A_110 = tpu.sem_alloc : memref<!tpu.dma_semaphore, #tpu.memory_space<semaphore_mem>>
        %dma_start3A_111 = arith.constant 0 : i32
        %dma_start3A_112 = arith.constant 0 : i32
        %dma_start3A_113 = tpu.memref_slice %arg6[%run_scoped3A, %dma_start3A_111, %dma_start3A_112] : memref<4x640x32xf32, #tpu.memory_space<vmem>> -> memref<1x640x32xf32, #tpu.memory_space<vmem>>
        %dma_start3A_114 = tpu.memref_squeeze %dma_start3A_113 : memref<1x640x32xf32, #tpu.memory_space<vmem>> -> memref<640x32xf32, #tpu.memory_space<vmem>>
        %dma_start3A_115 = arith.constant 0 : i32
        %dma_start3A_116 = tpu.memref_slice %arg4[%add3A_70, %dma_start3A_115] : memref<819200x32xf32, #tpu.memory_space<hbm>> -> memref<640x32xf32, #tpu.memory_space<hbm>>
        %dma_start3A_117 = arith.constant 0 : i32
        %dma_start3A_118 = tpu.memref_slice %arg4[%add3A_70, %dma_start3A_117] : memref<819200x32xf32, #tpu.memory_space<hbm>> -> memref<640x32xf32, #tpu.memory_space<hbm>>
        %dma_start3A_119 = arith.constant 0 : i32
        %dma_start3A_120 = arith.constant 0 : i32
        %dma_start3A_121 = tpu.memref_slice %arg6[%run_scoped3A, %dma_start3A_119, %dma_start3A_120] : memref<4x640x32xf32, #tpu.memory_space<vmem>> -> memref<1x640x32xf32, #tpu.memory_space<vmem>>
        %dma_start3A_122 = tpu.memref_squeeze %dma_start3A_121 : memref<1x640x32xf32, #tpu.memory_space<vmem>> -> memref<640x32xf32, #tpu.memory_space<vmem>>
        tpu.enqueue_dma source(%dma_start3A_122 : memref<640x32xf32, #tpu.memory_space<vmem>>) target(%dma_start3A_118 : memref<640x32xf32, #tpu.memory_space<hbm>>) target_semaphore(%run_scoped3A_110 : memref<!tpu.dma_semaphore, #tpu.memory_space<semaphore_mem>>)
        %dma_wait3A_123 = arith.constant 0 : i32
        %dma_wait3A_124 = arith.constant 0 : i32
        %dma_wait3A_125 = tpu.memref_slice %arg6[%run_scoped3A, %dma_wait3A_123, %dma_wait3A_124] : memref<4x640x32xf32, #tpu.memory_space<vmem>> -> memref<1x640x32xf32, #tpu.memory_space<vmem>>
        %dma_wait3A_126 = tpu.memref_squeeze %dma_wait3A_125 : memref<1x640x32xf32, #tpu.memory_space<vmem>> -> memref<640x32xf32, #tpu.memory_space<vmem>>
        %dma_wait3A_127 = arith.constant 0 : i32
        %dma_wait3A_128 = tpu.memref_slice %arg4[%add3A_70, %dma_wait3A_127] : memref<819200x32xf32, #tpu.memory_space<hbm>> -> memref<640x32xf32, #tpu.memory_space<hbm>>
        %dma_wait3A_129 = arith.constant 0 : i32
        %dma_wait3A_130 = tpu.memref_slice %arg4[%add3A_70, %dma_wait3A_129] : memref<819200x32xf32, #tpu.memory_space<hbm>> -> memref<640x32xf32, #tpu.memory_space<hbm>>
        %dma_wait3A_131 = arith.constant 0 : i32
        %dma_wait3A_132 = arith.constant 0 : i32
        %dma_wait3A_133 = tpu.memref_slice %arg6[%run_scoped3A, %dma_wait3A_131, %dma_wait3A_132] : memref<4x640x32xf32, #tpu.memory_space<vmem>> -> memref<1x640x32xf32, #tpu.memory_space<vmem>>
        %dma_wait3A_134 = tpu.memref_squeeze %dma_wait3A_133 : memref<1x640x32xf32, #tpu.memory_space<vmem>> -> memref<640x32xf32, #tpu.memory_space<vmem>>
        tpu.wait_dma2 semaphore(%run_scoped3A_110 : memref<!tpu.dma_semaphore, #tpu.memory_space<semaphore_mem>>) src(%dma_wait3A_134 : memref<640x32xf32, #tpu.memory_space<vmem>>) dst(%dma_wait3A_130 : memref<640x32xf32, #tpu.memory_space<hbm>>)
        tpu.yield
      }) : () -> ()
      %dma_wait3A_71 = arith.constant 1 : i32
      %dma_wait3A_72 = arith.constant 0 : i32
      %dma_wait3A_73 = arith.constant 0 : i32
      %dma_wait3A_74 = tpu.memref_slice %arg6[%dma_wait3A_71, %dma_wait3A_72, %dma_wait3A_73] : memref<4x640x32xf32, #tpu.memory_space<vmem>> -> memref<1x640x32xf32, #tpu.memory_space<vmem>>
      %dma_wait3A_75 = tpu.memref_squeeze %dma_wait3A_74 : memref<1x640x32xf32, #tpu.memory_space<vmem>> -> memref<640x32xf32, #tpu.memory_space<vmem>>
      %dma_wait3A_76 = tpu.memref_slice %arg5[%add3A_28] : memref<25600xi32, #tpu.memory_space<vmem>> -> memref<640xi32, #tpu.memory_space<vmem>>
      %dma_wait3A_77 = arith.constant 0 : i32
      %dma_wait3A_78 = arith.constant 0 : i32
      %dma_wait3A_79 = tpu.memref_slice %arg3[%dma_wait3A_77, %dma_wait3A_78] : memref<1007616x32xf32, #tpu.memory_space<hbm>> -> memref<1007616x32xf32, #tpu.memory_space<hbm>>
      tpu.wait_indirect_dma semaphore(%arg8 : memref<!tpu.dma_semaphore, #tpu.memory_space<semaphore_mem>>) src(%dma_wait3A_79 : memref<1007616x32xf32, #tpu.memory_space<hbm>>) dst(%dma_wait3A_75 : memref<640x32xf32, #tpu.memory_space<vmem>>)
      %add3A_80 = arith.addi %mul3A_2, %mul3A_16 : i32
      %add3A_81 = arith.constant 640 : i32
      %add3A_82 = arith.addi %add3A_80, %add3A_81 : i32
      %run_scoped3A_83 = arith.constant 1 : i32
      "tpu.region"() ({
        %run_scoped3A_110 = tpu.sem_alloc : memref<!tpu.dma_semaphore, #tpu.memory_space<semaphore_mem>>
        %dma_start3A_111 = arith.constant 0 : i32
        %dma_start3A_112 = arith.constant 0 : i32
        %dma_start3A_113 = tpu.memref_slice %arg6[%run_scoped3A_83, %dma_start3A_111, %dma_start3A_112] : memref<4x640x32xf32, #tpu.memory_space<vmem>> -> memref<1x640x32xf32, #tpu.memory_space<vmem>>
        %dma_start3A_114 = tpu.memref_squeeze %dma_start3A_113 : memref<1x640x32xf32, #tpu.memory_space<vmem>> -> memref<640x32xf32, #tpu.memory_space<vmem>>
        %dma_start3A_115 = arith.constant 0 : i32
        %dma_start3A_116 = tpu.memref_slice %arg4[%add3A_82, %dma_start3A_115] : memref<819200x32xf32, #tpu.memory_space<hbm>> -> memref<640x32xf32, #tpu.memory_space<hbm>>
        %dma_start3A_117 = arith.constant 0 : i32
        %dma_start3A_118 = tpu.memref_slice %arg4[%add3A_82, %dma_start3A_117] : memref<819200x32xf32, #tpu.memory_space<hbm>> -> memref<640x32xf32, #tpu.memory_space<hbm>>
        %dma_start3A_119 = arith.constant 0 : i32
        %dma_start3A_120 = arith.constant 0 : i32
        %dma_start3A_121 = tpu.memref_slice %arg6[%run_scoped3A_83, %dma_start3A_119, %dma_start3A_120] : memref<4x640x32xf32, #tpu.memory_space<vmem>> -> memref<1x640x32xf32, #tpu.memory_space<vmem>>
        %dma_start3A_122 = tpu.memref_squeeze %dma_start3A_121 : memref<1x640x32xf32, #tpu.memory_space<vmem>> -> memref<640x32xf32, #tpu.memory_space<vmem>>
        tpu.enqueue_dma source(%dma_start3A_122 : memref<640x32xf32, #tpu.memory_space<vmem>>) target(%dma_start3A_118 : memref<640x32xf32, #tpu.memory_space<hbm>>) target_semaphore(%run_scoped3A_110 : memref<!tpu.dma_semaphore, #tpu.memory_space<semaphore_mem>>)
        %dma_wait3A_123 = arith.constant 0 : i32
        %dma_wait3A_124 = arith.constant 0 : i32
        %dma_wait3A_125 = tpu.memref_slice %arg6[%run_scoped3A_83, %dma_wait3A_123, %dma_wait3A_124] : memref<4x640x32xf32, #tpu.memory_space<vmem>> -> memref<1x640x32xf32, #tpu.memory_space<vmem>>
        %dma_wait3A_126 = tpu.memref_squeeze %dma_wait3A_125 : memref<1x640x32xf32, #tpu.memory_space<vmem>> -> memref<640x32xf32, #tpu.memory_space<vmem>>
        %dma_wait3A_127 = arith.constant 0 : i32
        %dma_wait3A_128 = tpu.memref_slice %arg4[%add3A_82, %dma_wait3A_127] : memref<819200x32xf32, #tpu.memory_space<hbm>> -> memref<640x32xf32, #tpu.memory_space<hbm>>
        %dma_wait3A_129 = arith.constant 0 : i32
        %dma_wait3A_130 = tpu.memref_slice %arg4[%add3A_82, %dma_wait3A_129] : memref<819200x32xf32, #tpu.memory_space<hbm>> -> memref<640x32xf32, #tpu.memory_space<hbm>>
        %dma_wait3A_131 = arith.constant 0 : i32
        %dma_wait3A_132 = arith.constant 0 : i32
        %dma_wait3A_133 = tpu.memref_slice %arg6[%run_scoped3A_83, %dma_wait3A_131, %dma_wait3A_132] : memref<4x640x32xf32, #tpu.memory_space<vmem>> -> memref<1x640x32xf32, #tpu.memory_space<vmem>>
        %dma_wait3A_134 = tpu.memref_squeeze %dma_wait3A_133 : memref<1x640x32xf32, #tpu.memory_space<vmem>> -> memref<640x32xf32, #tpu.memory_space<vmem>>
        tpu.wait_dma2 semaphore(%run_scoped3A_110 : memref<!tpu.dma_semaphore, #tpu.memory_space<semaphore_mem>>) src(%dma_wait3A_134 : memref<640x32xf32, #tpu.memory_space<vmem>>) dst(%dma_wait3A_130 : memref<640x32xf32, #tpu.memory_space<hbm>>)
        tpu.yield
      }) : () -> ()
      %dma_wait3A_84 = arith.constant 2 : i32
      %dma_wait3A_85 = arith.constant 0 : i32
      %dma_wait3A_86 = arith.constant 0 : i32
      %dma_wait3A_87 = tpu.memref_slice %arg6[%dma_wait3A_84, %dma_wait3A_85, %dma_wait3A_86] : memref<4x640x32xf32, #tpu.memory_space<vmem>> -> memref<1x640x32xf32, #tpu.memory_space<vmem>>
      %dma_wait3A_88 = tpu.memref_squeeze %dma_wait3A_87 : memref<1x640x32xf32, #tpu.memory_space<vmem>> -> memref<640x32xf32, #tpu.memory_space<vmem>>
      %dma_wait3A_89 = tpu.memref_slice %arg5[%add3A_39] : memref<25600xi32, #tpu.memory_space<vmem>> -> memref<640xi32, #tpu.memory_space<vmem>>
      %dma_wait3A_90 = arith.constant 0 : i32
      %dma_wait3A_91 = arith.constant 0 : i32
      %dma_wait3A_92 = tpu.memref_slice %arg3[%dma_wait3A_90, %dma_wait3A_91] : memref<1007616x32xf32, #tpu.memory_space<hbm>> -> memref<1007616x32xf32, #tpu.memory_space<hbm>>
      tpu.wait_indirect_dma semaphore(%arg9 : memref<!tpu.dma_semaphore, #tpu.memory_space<semaphore_mem>>) src(%dma_wait3A_92 : memref<1007616x32xf32, #tpu.memory_space<hbm>>) dst(%dma_wait3A_88 : memref<640x32xf32, #tpu.memory_space<vmem>>)
      %add3A_93 = arith.addi %mul3A_2, %mul3A_16 : i32
      %add3A_94 = arith.constant 1280 : i32
      %add3A_95 = arith.addi %add3A_93, %add3A_94 : i32
      %run_scoped3A_96 = arith.constant 2 : i32
      "tpu.region"() ({
        %run_scoped3A_110 = tpu.sem_alloc : memref<!tpu.dma_semaphore, #tpu.memory_space<semaphore_mem>>
        %dma_start3A_111 = arith.constant 0 : i32
        %dma_start3A_112 = arith.constant 0 : i32
        %dma_start3A_113 = tpu.memref_slice %arg6[%run_scoped3A_96, %dma_start3A_111, %dma_start3A_112] : memref<4x640x32xf32, #tpu.memory_space<vmem>> -> memref<1x640x32xf32, #tpu.memory_space<vmem>>
        %dma_start3A_114 = tpu.memref_squeeze %dma_start3A_113 : memref<1x640x32xf32, #tpu.memory_space<vmem>> -> memref<640x32xf32, #tpu.memory_space<vmem>>
        %dma_start3A_115 = arith.constant 0 : i32
        %dma_start3A_116 = tpu.memref_slice %arg4[%add3A_95, %dma_start3A_115] : memref<819200x32xf32, #tpu.memory_space<hbm>> -> memref<640x32xf32, #tpu.memory_space<hbm>>
        %dma_start3A_117 = arith.constant 0 : i32
        %dma_start3A_118 = tpu.memref_slice %arg4[%add3A_95, %dma_start3A_117] : memref<819200x32xf32, #tpu.memory_space<hbm>> -> memref<640x32xf32, #tpu.memory_space<hbm>>
        %dma_start3A_119 = arith.constant 0 : i32
        %dma_start3A_120 = arith.constant 0 : i32
        %dma_start3A_121 = tpu.memref_slice %arg6[%run_scoped3A_96, %dma_start3A_119, %dma_start3A_120] : memref<4x640x32xf32, #tpu.memory_space<vmem>> -> memref<1x640x32xf32, #tpu.memory_space<vmem>>
        %dma_start3A_122 = tpu.memref_squeeze %dma_start3A_121 : memref<1x640x32xf32, #tpu.memory_space<vmem>> -> memref<640x32xf32, #tpu.memory_space<vmem>>
        tpu.enqueue_dma source(%dma_start3A_122 : memref<640x32xf32, #tpu.memory_space<vmem>>) target(%dma_start3A_118 : memref<640x32xf32, #tpu.memory_space<hbm>>) target_semaphore(%run_scoped3A_110 : memref<!tpu.dma_semaphore, #tpu.memory_space<semaphore_mem>>)
        %dma_wait3A_123 = arith.constant 0 : i32
        %dma_wait3A_124 = arith.constant 0 : i32
        %dma_wait3A_125 = tpu.memref_slice %arg6[%run_scoped3A_96, %dma_wait3A_123, %dma_wait3A_124] : memref<4x640x32xf32, #tpu.memory_space<vmem>> -> memref<1x640x32xf32, #tpu.memory_space<vmem>>
        %dma_wait3A_126 = tpu.memref_squeeze %dma_wait3A_125 : memref<1x640x32xf32, #tpu.memory_space<vmem>> -> memref<640x32xf32, #tpu.memory_space<vmem>>
        %dma_wait3A_127 = arith.constant 0 : i32
        %dma_wait3A_128 = tpu.memref_slice %arg4[%add3A_95, %dma_wait3A_127] : memref<819200x32xf32, #tpu.memory_space<hbm>> -> memref<640x32xf32, #tpu.memory_space<hbm>>
        %dma_wait3A_129 = arith.constant 0 : i32
        %dma_wait3A_130 = tpu.memref_slice %arg4[%add3A_95, %dma_wait3A_129] : memref<819200x32xf32, #tpu.memory_space<hbm>> -> memref<640x32xf32, #tpu.memory_space<hbm>>
        %dma_wait3A_131 = arith.constant 0 : i32
        %dma_wait3A_132 = arith.constant 0 : i32
        %dma_wait3A_133 = tpu.memref_slice %arg6[%run_scoped3A_96, %dma_wait3A_131, %dma_wait3A_132] : memref<4x640x32xf32, #tpu.memory_space<vmem>> -> memref<1x640x32xf32, #tpu.memory_space<vmem>>
        %dma_wait3A_134 = tpu.memref_squeeze %dma_wait3A_133 : memref<1x640x32xf32, #tpu.memory_space<vmem>> -> memref<640x32xf32, #tpu.memory_space<vmem>>
        tpu.wait_dma2 semaphore(%run_scoped3A_110 : memref<!tpu.dma_semaphore, #tpu.memory_space<semaphore_mem>>) src(%dma_wait3A_134 : memref<640x32xf32, #tpu.memory_space<vmem>>) dst(%dma_wait3A_130 : memref<640x32xf32, #tpu.memory_space<hbm>>)
        tpu.yield
      }) : () -> ()
      %dma_wait3A_97 = arith.constant 3 : i32
      %dma_wait3A_98 = arith.constant 0 : i32
      %dma_wait3A_99 = arith.constant 0 : i32
      %dma_wait3A_100 = tpu.memref_slice %arg6[%dma_wait3A_97, %dma_wait3A_98, %dma_wait3A_99] : memref<4x640x32xf32, #tpu.memory_space<vmem>> -> memref<1x640x32xf32, #tpu.memory_space<vmem>>
      %dma_wait3A_101 = tpu.memref_squeeze %dma_wait3A_100 : memref<1x640x32xf32, #tpu.memory_space<vmem>> -> memref<640x32xf32, #tpu.memory_space<vmem>>
      %dma_wait3A_102 = tpu.memref_slice %arg5[%add3A_50] : memref<25600xi32, #tpu.memory_space<vmem>> -> memref<640xi32, #tpu.memory_space<vmem>>
      %dma_wait3A_103 = arith.constant 0 : i32
      %dma_wait3A_104 = arith.constant 0 : i32
      %dma_wait3A_105 = tpu.memref_slice %arg3[%dma_wait3A_103, %dma_wait3A_104] : memref<1007616x32xf32, #tpu.memory_space<hbm>> -> memref<1007616x32xf32, #tpu.memory_space<hbm>>
      tpu.wait_indirect_dma semaphore(%arg10 : memref<!tpu.dma_semaphore, #tpu.memory_space<semaphore_mem>>) src(%dma_wait3A_105 : memref<1007616x32xf32, #tpu.memory_space<hbm>>) dst(%dma_wait3A_101 : memref<640x32xf32, #tpu.memory_space<vmem>>)
      %add3A_106 = arith.addi %mul3A_2, %mul3A_16 : i32
      %add3A_107 = arith.constant 1920 : i32
      %add3A_108 = arith.addi %add3A_106, %add3A_107 : i32
      %run_scoped3A_109 = arith.constant 3 : i32
      "tpu.region"() ({
        %run_scoped3A_110 = tpu.sem_alloc : memref<!tpu.dma_semaphore, #tpu.memory_space<semaphore_mem>>
        %dma_start3A_111 = arith.constant 0 : i32
        %dma_start3A_112 = arith.constant 0 : i32
        %dma_start3A_113 = tpu.memref_slice %arg6[%run_scoped3A_109, %dma_start3A_111, %dma_start3A_112] : memref<4x640x32xf32, #tpu.memory_space<vmem>> -> memref<1x640x32xf32, #tpu.memory_space<vmem>>
        %dma_start3A_114 = tpu.memref_squeeze %dma_start3A_113 : memref<1x640x32xf32, #tpu.memory_space<vmem>> -> memref<640x32xf32, #tpu.memory_space<vmem>>
        %dma_start3A_115 = arith.constant 0 : i32
        %dma_start3A_116 = tpu.memref_slice %arg4[%add3A_108, %dma_start3A_115] : memref<819200x32xf32, #tpu.memory_space<hbm>> -> memref<640x32xf32, #tpu.memory_space<hbm>>
        %dma_start3A_117 = arith.constant 0 : i32
        %dma_start3A_118 = tpu.memref_slice %arg4[%add3A_108, %dma_start3A_117] : memref<819200x32xf32, #tpu.memory_space<hbm>> -> memref<640x32xf32, #tpu.memory_space<hbm>>
        %dma_start3A_119 = arith.constant 0 : i32
        %dma_start3A_120 = arith.constant 0 : i32
        %dma_start3A_121 = tpu.memref_slice %arg6[%run_scoped3A_109, %dma_start3A_119, %dma_start3A_120] : memref<4x640x32xf32, #tpu.memory_space<vmem>> -> memref<1x640x32xf32, #tpu.memory_space<vmem>>
        %dma_start3A_122 = tpu.memref_squeeze %dma_start3A_121 : memref<1x640x32xf32, #tpu.memory_space<vmem>> -> memref<640x32xf32, #tpu.memory_space<vmem>>
        tpu.enqueue_dma source(%dma_start3A_122 : memref<640x32xf32, #tpu.memory_space<vmem>>) target(%dma_start3A_118 : memref<640x32xf32, #tpu.memory_space<hbm>>) target_semaphore(%run_scoped3A_110 : memref<!tpu.dma_semaphore, #tpu.memory_space<semaphore_mem>>)
        %dma_wait3A_123 = arith.constant 0 : i32
        %dma_wait3A_124 = arith.constant 0 : i32
        %dma_wait3A_125 = tpu.memref_slice %arg6[%run_scoped3A_109, %dma_wait3A_123, %dma_wait3A_124] : memref<4x640x32xf32, #tpu.memory_space<vmem>> -> memref<1x640x32xf32, #tpu.memory_space<vmem>>
        %dma_wait3A_126 = tpu.memref_squeeze %dma_wait3A_125 : memref<1x640x32xf32, #tpu.memory_space<vmem>> -> memref<640x32xf32, #tpu.memory_space<vmem>>
        %dma_wait3A_127 = arith.constant 0 : i32
        %dma_wait3A_128 = tpu.memref_slice %arg4[%add3A_108, %dma_wait3A_127] : memref<819200x32xf32, #tpu.memory_space<hbm>> -> memref<640x32xf32, #tpu.memory_space<hbm>>
        %dma_wait3A_129 = arith.constant 0 : i32
        %dma_wait3A_130 = tpu.memref_slice %arg4[%add3A_108, %dma_wait3A_129] : memref<819200x32xf32, #tpu.memory_space<hbm>> -> memref<640x32xf32, #tpu.memory_space<hbm>>
        %dma_wait3A_131 = arith.constant 0 : i32
        %dma_wait3A_132 = arith.constant 0 : i32
        %dma_wait3A_133 = tpu.memref_slice %arg6[%run_scoped3A_109, %dma_wait3A_131, %dma_wait3A_132] : memref<4x640x32xf32, #tpu.memory_space<vmem>> -> memref<1x640x32xf32, #tpu.memory_space<vmem>>
        %dma_wait3A_134 = tpu.memref_squeeze %dma_wait3A_133 : memref<1x640x32xf32, #tpu.memory_space<vmem>> -> memref<640x32xf32, #tpu.memory_space<vmem>>
        tpu.wait_dma2 semaphore(%run_scoped3A_110 : memref<!tpu.dma_semaphore, #tpu.memory_space<semaphore_mem>>) src(%dma_wait3A_134 : memref<640x32xf32, #tpu.memory_space<vmem>>) dst(%dma_wait3A_130 : memref<640x32xf32, #tpu.memory_space<hbm>>)
        tpu.yield
      }) : () -> ()
    }
    %scan3A_13 = arith.constant 10 : i32
    return
  }
}

module attributes {stable_mosaic.version = 14 : i64} {
  func.func @_repack_body(%arg0: i32, %arg1: memref<32x8192xf32, #tpu.memory_space<vmem>>, %arg2: memref<2048x128xf32, #tpu.memory_space<vmem>>) attributes {dimension_semantics = [#tpu.dimension_semantics<arbitrary>], iteration_bounds = array<i64: 123>, scalar_prefetch = 0 : i64, scratch_operands = 0 : i64, tpu.core_type = #tpu.core_type<tc>, window_params = [{transform_indices = @transform_0, window_bounds = array<i64: 32, 8192>}, {transform_indices = @transform_1, window_bounds = array<i64: 2048, 128>}]} {
    %get3A = arith.constant 0 : index
    %get3A_0 = arith.constant 0 : index
    %get3A_1 = vector.load %arg1[%get3A, %get3A_0] : memref<32x8192xf32, #tpu.memory_space<vmem>>, vector<32x8192xf32>
    %slice3A = vector.extract_strided_slice %get3A_1 {offsets = [0, 0], sizes = [32, 2048], strides = [1, 1]} : vector<32x8192xf32> to vector<32x2048xf32>
    %transpose3A = tpu.transpose %slice3A, [1, 0] : vector<32x2048xf32> -> vector<2048x32xf32>
    %swap3A = arith.constant 0 : index
    %swap3A_2 = arith.constant 0 : index
    %swap3A_3 = vector.load %arg2[%swap3A, %swap3A_2] : memref<2048x128xf32, #tpu.memory_space<vmem>>, vector<2048x32xf32>
    tpu.vector_store %arg2[%swap3A, %swap3A_2], %transpose3A {strides = array<i32>} : memref<2048x128xf32, #tpu.memory_space<vmem>>, vector<2048x32xf32>,
    %slice3A_4 = vector.extract_strided_slice %get3A_1 {offsets = [0, 2048], sizes = [32, 2048], strides = [1, 1]} : vector<32x8192xf32> to vector<32x2048xf32>
    %transpose3A_5 = tpu.transpose %slice3A_4, [1, 0] : vector<32x2048xf32> -> vector<2048x32xf32>
    %swap3A_6 = arith.constant 0 : index
    %swap3A_7 = arith.constant 32 : index
    %swap3A_8 = vector.load %arg2[%swap3A_6, %swap3A_7] : memref<2048x128xf32, #tpu.memory_space<vmem>>, vector<2048x32xf32>
    tpu.vector_store %arg2[%swap3A_6, %swap3A_7], %transpose3A_5 {strides = array<i32>} : memref<2048x128xf32, #tpu.memory_space<vmem>>, vector<2048x32xf32>,
    %slice3A_9 = vector.extract_strided_slice %get3A_1 {offsets = [0, 4096], sizes = [32, 2048], strides = [1, 1]} : vector<32x8192xf32> to vector<32x2048xf32>
    %transpose3A_10 = tpu.transpose %slice3A_9, [1, 0] : vector<32x2048xf32> -> vector<2048x32xf32>
    %swap3A_11 = arith.constant 0 : index
    %swap3A_12 = arith.constant 64 : index
    %swap3A_13 = vector.load %arg2[%swap3A_11, %swap3A_12] : memref<2048x128xf32, #tpu.memory_space<vmem>>, vector<2048x32xf32>
    tpu.vector_store %arg2[%swap3A_11, %swap3A_12], %transpose3A_10 {strides = array<i32>} : memref<2048x128xf32, #tpu.memory_space<vmem>>, vector<2048x32xf32>,
    %slice3A_14 = vector.extract_strided_slice %get3A_1 {offsets = [0, 6144], sizes = [32, 2048], strides = [1, 1]} : vector<32x8192xf32> to vector<32x2048xf32>
    %transpose3A_15 = tpu.transpose %slice3A_14, [1, 0] : vector<32x2048xf32> -> vector<2048x32xf32>
    %swap3A_16 = arith.constant 0 : index
    %swap3A_17 = arith.constant 96 : index
    %swap3A_18 = vector.load %arg2[%swap3A_16, %swap3A_17] : memref<2048x128xf32, #tpu.memory_space<vmem>>, vector<2048x32xf32>
    tpu.vector_store %arg2[%swap3A_16, %swap3A_17], %transpose3A_15 {strides = array<i32>} : memref<2048x128xf32, #tpu.memory_space<vmem>>, vector<2048x32xf32>,
    return
  }
  func.func @transform_0(%arg0: i32) -> (i32, i32) {
    %c0_i32 = arith.constant 0 : i32
    %c0_i32_0 = arith.constant 0 : i32
    return %c0_i32, %arg0 : i32, i32
  }
  func.func @transform_1(%arg0: i32) -> (i32, i32) {
    %c0_i32 = arith.constant 0 : i32
    %c0_i32_0 = arith.constant 0 : i32
    return %arg0, %c0_i32 : i32, i32
  }
}

module attributes {stable_mosaic.version = 14 : i64} {
  func.func @_finish_body(%arg0: i32, %arg1: memref<4096x128xf32, #tpu.memory_space<vmem>>, %arg2: memref<1x32x16384xf32, #tpu.memory_space<vmem>>) attributes {dimension_semantics = [#tpu.dimension_semantics<arbitrary>], iteration_bounds = array<i64: 50>, scalar_prefetch = 0 : i64, scratch_operands = 0 : i64, tpu.core_type = #tpu.core_type<tc>, window_params = [{transform_indices = @transform_0, window_bounds = array<i64: 4096, 128>}, {transform_indices = @transform_1, window_bounds = array<i64: 1, 32, 16384>}]} {
    %get3A = arith.constant 0 : index
    %get3A_0 = arith.constant 0 : index
    %get3A_1 = vector.load %arg1[%get3A, %get3A_0] : memref<4096x128xf32, #tpu.memory_space<vmem>>, vector<4096x128xf32>
    %slice3A = vector.extract_strided_slice %get3A_1 {offsets = [0, 0], sizes = [4096, 32], strides = [1, 1]} : vector<4096x128xf32> to vector<4096x32xf32>
    %transpose3A = tpu.transpose %slice3A, [1, 0] : vector<4096x32xf32> -> vector<32x4096xf32>
    %swap3A = arith.constant 0 : index
    %swap3A_2 = arith.constant 0 : index
    %swap3A_3 = arith.constant 0 : index
    %swap3A_4 = vector.load %arg2[%swap3A, %swap3A_2, %swap3A_3] : memref<1x32x16384xf32, #tpu.memory_space<vmem>>, vector<1x32x4096xf32>
    %swap3A_5 = vector.shape_cast %swap3A_4 : vector<1x32x4096xf32> to vector<32x4096xf32>
    %swap3A_6 = vector.shape_cast %transpose3A : vector<32x4096xf32> to vector<1x32x4096xf32>
    tpu.vector_store %arg2[%swap3A, %swap3A_2, %swap3A_3], %swap3A_6 {strides = array<i32>} : memref<1x32x16384xf32, #tpu.memory_space<vmem>>, vector<1x32x4096xf32>,
    %slice3A_7 = vector.extract_strided_slice %get3A_1 {offsets = [0, 32], sizes = [4096, 32], strides = [1, 1]} : vector<4096x128xf32> to vector<4096x32xf32>
    %transpose3A_8 = tpu.transpose %slice3A_7, [1, 0] : vector<4096x32xf32> -> vector<32x4096xf32>
    %swap3A_9 = arith.constant 0 : index
    %swap3A_10 = arith.constant 0 : index
    %swap3A_11 = arith.constant 4096 : index
    %swap3A_12 = vector.load %arg2[%swap3A_9, %swap3A_10, %swap3A_11] : memref<1x32x16384xf32, #tpu.memory_space<vmem>>, vector<1x32x4096xf32>
    %swap3A_13 = vector.shape_cast %swap3A_12 : vector<1x32x4096xf32> to vector<32x4096xf32>
    %swap3A_14 = vector.shape_cast %transpose3A_8 : vector<32x4096xf32> to vector<1x32x4096xf32>
    tpu.vector_store %arg2[%swap3A_9, %swap3A_10, %swap3A_11], %swap3A_14 {strides = array<i32>} : memref<1x32x16384xf32, #tpu.memory_space<vmem>>, vector<1x32x4096xf32>,
    %slice3A_15 = vector.extract_strided_slice %get3A_1 {offsets = [0, 64], sizes = [4096, 32], strides = [1, 1]} : vector<4096x128xf32> to vector<4096x32xf32>
    %transpose3A_16 = tpu.transpose %slice3A_15, [1, 0] : vector<4096x32xf32> -> vector<32x4096xf32>
    %swap3A_17 = arith.constant 0 : index
    %swap3A_18 = arith.constant 0 : index
    %swap3A_19 = arith.constant 8192 : index
    %swap3A_20 = vector.load %arg2[%swap3A_17, %swap3A_18, %swap3A_19] : memref<1x32x16384xf32, #tpu.memory_space<vmem>>, vector<1x32x4096xf32>
    %swap3A_21 = vector.shape_cast %swap3A_20 : vector<1x32x4096xf32> to vector<32x4096xf32>
    %swap3A_22 = vector.shape_cast %transpose3A_16 : vector<32x4096xf32> to vector<1x32x4096xf32>
    tpu.vector_store %arg2[%swap3A_17, %swap3A_18, %swap3A_19], %swap3A_22 {strides = array<i32>} : memref<1x32x16384xf32, #tpu.memory_space<vmem>>, vector<1x32x4096xf32>,
    %slice3A_23 = vector.extract_strided_slice %get3A_1 {offsets = [0, 96], sizes = [4096, 32], strides = [1, 1]} : vector<4096x128xf32> to vector<4096x32xf32>
    %transpose3A_24 = tpu.transpose %slice3A_23, [1, 0] : vector<4096x32xf32> -> vector<32x4096xf32>
    %swap3A_25 = arith.constant 0 : index
    %swap3A_26 = arith.constant 0 : index
    %swap3A_27 = arith.constant 12288 : index
    %swap3A_28 = vector.load %arg2[%swap3A_25, %swap3A_26, %swap3A_27] : memref<1x32x16384xf32, #tpu.memory_space<vmem>>, vector<1x32x4096xf32>
    %swap3A_29 = vector.shape_cast %swap3A_28 : vector<1x32x4096xf32> to vector<32x4096xf32>
    %swap3A_30 = vector.shape_cast %transpose3A_24 : vector<32x4096xf32> to vector<1x32x4096xf32>
    tpu.vector_store %arg2[%swap3A_25, %swap3A_26, %swap3A_27], %swap3A_30 {strides = array<i32>} : memref<1x32x16384xf32, #tpu.memory_space<vmem>>, vector<1x32x4096xf32>,
    return
  }
  func.func @transform_0(%arg0: i32) -> (i32, i32) {
    %c0_i32 = arith.constant 0 : i32
    %c0_i32_0 = arith.constant 0 : i32
    return %arg0, %c0_i32 : i32, i32
  }
  func.func @transform_1(%arg0: i32) -> (i32, i32, i32) {
    %c0_i32 = arith.constant 0 : i32
    %c0_i32_0 = arith.constant 0 : i32
    %c0_i32_1 = arith.constant 0 : i32
    return %arg0, %c0_i32, %c0_i32_0 : i32, i32, i32
  }
}

</mosaic_0001>

<sc_bundles>
// kernel: kernel.5.cloned.1.call-start
scs
__scs_entry_jumppad:
0x0: {  	(pc) =	sbr.rel $0x88, $3  }
0x1: {  	(tag) =	ssettag $0x0;
	lr =	simm.s32 $0x1  }
0x2: {  	[smem:$0x3F9F] =	sst lr;
	_ =	strace $0xD0000000  }
0x3: {  	_ = 	snop  }
0x4: {  	_ = 	snop  }
0x5: {  	_ = 	snop  }
0x6: {  	_ = 	snop  }
0x7: {  	_ = 	snop  }
__scs_overlays_trampoline_lowered:
0x8: {  	[smem:$0x3FAE] =	sst s0  }
0x9: {  	[smem:$0x3FAF] =	sst s1  }
0xa: {  	[smem:$0x3FB0] =	sst s2  }
0xb: {  	[smem:$0x3FB1] =	sst s3  }
0xc: {  	[smem:$0x3FB2] =	sst s4  }
0xd: {  	[smem:$0x3FB3] =	sst s5  }
0xe: {  	[smem:$0x3FB4] =	sst s6  }
0xf: {  	[smem:$0x3FB5] =	sst s7  }
0x10: {  	[smem:$0x3FB6] =	sst s8  }
0x11: {  	[smem:$0x3FB7] =	sst s9;
	s0 =	simm.s32 @!p0 $0x0  }
0x12: {  	s1 =	sld [smem:$0x3F9D];
	s0 =	simm.s32 @p0 $0x1  }
0x13: {  	[smem:$0x3FB8] =	sst s0;
	s0 =	simm.s32 @!p1 $0x0  }
0x14: {  	s2 =	sld [smem:$0x3F9C];
	s0 =	simm.s32 @p1 $0x1  }
0x15: {  	[smem:$0x3FB9] =	sst s0;
	s0 =	simm.s32 @!p2 $0x0  }
0x16: {  	s3 =	sld [smem:$0x3FDB];
	s0 =	simm.s32 @p2 $0x1  }
0x17: {  	s4 =	simm.s32 $0x1BF5;
	[smem:$0x3FBB] =	sst s0  }
0x18: {  	s0 =	sld [smem:$0x3F9E];
	_ =	swait.ge [sflag:s4], $0x0  }
0x19: {  	s7 =	sld [smem:$0x3F9F]  }
0x1a: {  	s8 =	sadd.s32 $0xFFFFE003, lr  }
0x1b: {  	s9 =	sadd.s32 $0xFFFFFEF7, lr;
	s5 =	simm.s32 $0xFFFFFFFF;
	p2 =	slt.u32 s8, $0xFFFFF086  }
0x1c: {  	p1 =	slt.u32 s9, $0xF7A;
	s5 =	simm.s32 @!p2 $0x0  }
0x1d: {  	s5 =	simm.s32 @p1 $0x1;
	p0 =	seq.s32 s7, s2  }
0x1e: {  	s7 =	smul.u32 @!p0 $0xF7A, s2;
	p2 =	seq.s32 @!p0 s5, $0x0  }
0x1f: {  	s9 =	smul.u32 $0xF7A, s1;
	s8 =	simm.s32 @!p0 $0x1BF5;
	p2 =	por !p2, p0  }
0x20: {  	[sflag:s8] =	ssyncset.s32 @!p0 $0xFFFFF086;
	s6 =	sadd.s32 @!p0 s3, s7;
	s7 =	simm.s32 @!p0 $0x108  }
0x21: {  	s3 =	sadd.s32 s3, s9;
	s6 =	sadd.s32 @!p0 $0x88, s6;
	s7 =	simm.s32 @p2 $0x1082  }
0x22: {  	[simem:s7], [sflag:s8] =	dma.local @!p0 [hbm:s6], $0xF7A  }
0x23: {  	s9 =	sor.u32 $0xD0000000, s2;
	s6 =	simm.s32 $0x108;
	_ =	swait.ge @!p0 [sflag:s8], $0x0  }
0x24: {  	s3 =	sadd.s32 $0x88, s3;
	s6 =	simm.s32 @!p1 $0x1082;
	[sflag:s4] =	ssyncset.s32 $0xFFFFF086  }
0x25: {  	[simem:s6], [sflag:s4] =	dma.local [hbm:s3], $0xF7A  }
0x26: {  	[smem:$0x3F9F] =	sst s1;
	(tag) =	ssettag s2;
	_ =	strace s9  }
0x27: {  	s1 =	sld [smem:$0x3FAF]  }
0x28: {  	s2 =	sld [smem:$0x3FB0]  }
0x29: {  	s4 =	sld [smem:$0x3FB2]  }
0x2a: {  	p0 =	seq.s32 s5, $0x0;
	s5 =	sld [smem:$0x3FB3]  }
0x2b: {  	s6 =	sld [smem:$0x3FB4]  }
0x2c: {  	s7 =	sld [smem:$0x3FB5]  }
0x2d: {  	s3 =	simm.s32 $0x108;
	s8 =	sld [smem:$0x3FB6]  }
0x2e: {  	s3 =	simm.s32 @!p0 $0x1082;
	s9 =	sld [smem:$0x3FB7]  }
0x2f: {  	lr =	sadd.s32 s0, s3;
	s0 =	sld [smem:$0x3FAE]  }
0x30: {  	s3 =	sld [smem:$0x3FB1]  }
0x31: {  	[smem:$0x3FBA] =	sst s10  }
0x32: {  	s10 =	sld [smem:$0x3FB8];
	_ =	sdelay $0x3  }
0x33: {  	p0 =	seq.s32 s10, $0x1;
	s10 =	sld [smem:$0x3FBA];
	_ =	sdelay $0x3  }
0x34: {  	[smem:$0x3FBA] =	sst s10  }
0x35: {  	s10 =	sld [smem:$0x3FB9];
	_ =	sdelay $0x3  }
0x36: {  	p1 =	seq.s32 s10, $0x1;
	s10 =	sld [smem:$0x3FBA];
	_ =	sdelay $0x3  }
0x37: {  	[smem:$0x3FBA] =	sst s10  }
0x38: {  	s10 =	sld [smem:$0x3FBB]  }
0x39: {  	_ = 	snop;
	(pc) =	sbr.ind lr, $3  }
0x3a: {  	_ = 	snop  }
0x3b: {  	_ = 	snop  }
0x3c: {  	p2 =	seq.s32 s10, $0x1;
	s10 =	sld [smem:$0x3FBA]  }
0x3d: {  	_ =	shalt  }
0x3e: {  	_ =	shalt  }
0x3f: {  	_ =	shalt  }
0x40: {  	_ =	shalt  }
0x41: {  	_ =	shalt  }
0x42: {  	_ =	shalt  }
0x43: {  	_ =	shalt  }
0x44: {  	_ =	shalt  }
0x45: {  	_ =	shalt  }
0x46: {  	_ =	shalt  }
0x47: {  	_ =	shalt  }
0x48: {  	_ =	shalt  }
0x49: {  	_ =	shalt  }
0x4a: {  	_ =	shalt  }
0x4b: {  	_ =	shalt  }
0x4c: {  	_ =	shalt  }
0x4d: {  	_ =	shalt  }
0x4e: {  	_ =	shalt  }
0x4f: {  	_ =	shalt  }
0x50: {  	_ =	shalt  }
0x51: {  	_ =	shalt  }
0x52: {  	_ =	shalt  }
0x53: {  	_ =	shalt  }
0x54: {  	_ =	shalt  }
0x55: {  	_ =	shalt  }
0x56: {  	_ =	shalt  }
0x57: {  	_ =	shalt  }
0x58: {  	_ =	shalt  }
0x59: {  	_ =	shalt  }
0x5a: {  	_ =	shalt  }
0x5b: {  	_ =	shalt  }
0x5c: {  	_ =	shalt  }
0x5d: {  	_ =	shalt  }
0x5e: {  	_ =	shalt  }
0x5f: {  	_ =	shalt  }
0x60: {  	_ =	shalt  }
0x61: {  	_ =	shalt  }
0x62: {  	_ =	shalt  }
0x63: {  	_ =	shalt  }
0x64: {  	_ =	shalt  }
0x65: {  	_ =	shalt  }
0x66: {  	_ =	shalt  }
0x67: {  	_ =	shalt  }
0x68: {  	_ =	shalt  }
0x69: {  	_ =	shalt  }
0x6a: {  	_ =	shalt  }
0x6b: {  	_ =	shalt  }
0x6c: {  	_ =	shalt  }
0x6d: {  	_ =	shalt  }
0x6e: {  	_ =	shalt  }
0x6f: {  	_ =	shalt  }
0x70: {  	_ =	shalt  }
0x71: {  	_ =	shalt  }
0x72: {  	_ =	shalt  }
0x73: {  	_ =	shalt  }
0x74: {  	_ =	shalt  }
0x75: {  	_ =	shalt  }
0x76: {  	_ =	shalt  }
0x77: {  	_ =	shalt  }
0x78: {  	_ =	shalt  }
0x79: {  	_ =	shalt  }
0x7a: {  	_ =	shalt  }
0x7b: {  	_ =	shalt  }
0x7c: {  	_ =	shalt  }
0x7d: {  	_ =	shalt  }
0x7e: {  	_ =	shalt  }
0x7f: {  	_ =	shalt  }
0x80: {  	_ =	shalt  }
0x81: {  	_ =	shalt  }
0x82: {  	_ =	shalt  }
0x83: {  	_ =	shalt  }
0x84: {  	_ =	shalt  }
0x85: {  	_ =	shalt  }
0x86: {  	_ =	shalt  }
0x87: {  	_ =	shalt  }
.Lfunc_end0:
.L_simem_size_0:
called_computation_lowered:
.L_overlay_start_0:
0x88: {  	s2 =	sld [smem:$0x3FD9]  }
0x89: {  	s3 =	sld [smem:$0x3FFE];
	_ =	sdelay $0x1  }
0x8a: {  	s1 =	srdreg.scid  }
0x8b: {  	s0 =	sand.u32 $0x1, s1  }
0x8c: {  	s16 =	sshll.u32 s0, $0xA;
	s2 =	sadd.s32 s3, s2  }
0x8d: {  	s2 =	sadd.s32 s2, s16  }
0x8e: {  	[smem:$0x3FC6] =	sst s2  }
0x8f: {  	_ = 	snop  }
0x90: {  	(tm) =	ssettm $0x1  }
0x91: {  	s17 =	sld [smem:$0x3FFB];
	_ =	sdelay $0x3  }
0x92: {  	_ =	strace s17  }
0x93: {  	s2 =	sld [smem:$0x3FFC];
	_ =	sdelay $0x3  }
0x94: {  	_ =	strace s2  }
0x95: {  	s2 =	sld [smem:$0x3FFD];
	_ =	sdelay $0x3  }
0x96: {  	_ =	strace s2  }
0x97: {  	_ =	strace $0x8FFFFFFF  }
0x98: {  	s18 =	sld [smem:$0x3FDB];
	_ =	sdelay $0x1  }
0x99: {  	s19 =	simm.s32 $_scs_section_size  }
0x9a: {  	s4 =	simm.s32 $_size__tile_overlayer_lowered;
	s5 =	simm.s32 $_tile_overlayer_lowered  }
0x9b: {  	s22 =	simm.s32 $0x1BFF;
	s21 =	sshll.u32 s5, $0x1;
	s2 =	sadd.s32 s19, s18  }
0x9c: {  	s6 =	simm.s32 $0x0;
	s20 =	sshll.u32 s4, $0x1;
	s4 =	sadd.s32 s21, s2  }
0x9d: {  	[timem:s6], [sflag:s22] =	dma.local [hbm:s4], s20  }
0x9e: {  	_ =	swait.ge [sflag:s22], s20  }
0x9f: {  	s3 =	ssub.s32 $0x0, s20;
	[sflag:s22] =	ssyncset.done $0x0  }
0xa0: {  	[sflag:s22] =	ssyncadd.s32 s3;
	_ =	sdelay $0x1  }
0xa1: {  	s23 =	simm.s32 $0x1B8B  }
0xa2: {  	_ =	swait.ge [sflag:s23], $0x1  }
0xa3: {  	[sflag:s23] =	ssyncset.done $0x0  }
0xa4: {  	s25 =	simm.s32 $0x1B8E;
	s24 =	sld [smem:$0x3FFE];
	[sflag:s23] =	ssyncadd.s32 $0xFFFFFFFF  }
0xa5: {  	s26 =	simm.s32 $execute0_lowered;
	[smem:$0x3FD2] =	sst s25  }
0xa6: {  	s4 =	sshll.u32 s26, $0x1;
	_ =	strace $0x80000046;
	[dreg:$0x1] =	wrdreg $0xFFFFFFFF  }
0xa7: {  	s28 =	simm.s32 $_size_execute0_lowered;
	s2 =	sadd.s32 s2, s4;
	[dreg:$0x0] =	wrdreg $0x0  }
0xa8: {  	s4 =	sshll.u32 s28, $0x1;
	[dreg:$0x2] =	wrdreg s2  }
0xa9: {  	[dreg:$0x3] =	wrdreg s4  }
0xaa: {  	[dreg:$0x4] =	wrdreg $0xC0  }
0xab: {  	_ =	task [dreg:s6], $0x5FFFF  }
0xac: {  	[dreg:$0x1] =	wrdreg $0xFFFFFFFF  }
0xad: {  	[dreg:$0x0] =	wrdreg $0x60  }
0xae: {  	[dreg:$0x2] =	wrdreg s24  }
0xaf: {  	[dreg:$0x3] =	wrdreg $0x9  }
0xb0: {  	_ =	task.clear_ibuf [dreg:s6], $0x4FFFF;
	_ =	strace $0x90000046  }
0xb1: {  	s29 =	simm.s32 $0x9;
	_ =	strace $0x80000048  }
0xb2: {  	_ =	swait.ge [sflag:s29], $0x1  }
0xb3: {  	[sflag:s29] =	ssyncadd.s32 $0xFFFFFFFF  }
0xb4: {  	_ =	strace $0x90000048  }
0xb5: {  	_ =	sfence  }
0xb6: {  	s30 =	sld [smem:$0x0];
	_ =	sdelay $0x2  }
0xb7: {  	s31 =	sshll.u32 s1, $0xD;
	s1 =	sshrl.u32 s1, $0x2  }
0xb8: {  	s3 =	sand.u32 $0x4000, s31;
	s1 =	sadd.s32 s1, s30  }
0xb9: {  	s0 =	sor.u32 s3, s0;
	s1 =	sshll.u32 s1, $0x11  }
0xba: {  	s0 =	sor.u32 s1, s0  }
0xbb: {  	s0 =	sadd.s32 $0x8F2B, s0  }
0xbc: {  	[sflag:s0] =	ssyncadd.remote.s32 $0x1  }
0xbd: {  	_ =	sfence.sel $0xFFFF  }
0xbe: {  	[dreg:$0x0] =	wrdreg $0xFFFFFFFF;
	(pc) =	sbr.abs _section_cstart, $3  }
0xbf: {  	[dreg:$0x1] =	wrdreg $0xFFFFFFFF  }
0xc0: {  	_ =	task.clear_ibuf [dreg:s6], $0x2FFFF;
	_ =	strace $0x9FFFFFFF  }
0xc1: {  	(tm) =	ssettm $0x7FFFFFFF  }
tec
execute0_lowered:
.L_overlay_start_1:
0x0: {  	(tag) =	ssettag $0x1  }
0x1: {  	s1 =	srdreg.scid;
	s0 =	stileid.u32  }
0x2: {  	s4 =	rddreg [dreg:$0x0];
	s2 =	simm.s32 $0x0;
	s10 =	simm.s32 $0xB400  }
0x3: {  	s11 =	simm.s32 $0x10400;
	s12 =	simm.s32 $0x15400;
	s13 =	simm.s32 $0x1  }
0x4: {  	s14 =	simm.s32 $0x2;
	s15 =	simm.s32 $0x3;
	s16 =	simm.s32 $0x4  }
0x5: {  	s17 =	simm.s32 $0x0;
	s3 =	sand.u32 $0x1, s1;
	s1 =	rddreg [dreg:$0x1]  }
0x6: {  	s5 =	sshll.u32 s0, $0x1;
	[smem:$0x7FF] =	sst s2;
	s6 =	smul.u32 $0x32000, s0  }
0x7: {  	s5 =	sor.u32 s3, s5;
	s7 =	ssub.s32 $0x2, s3;
	s9 =	smul.u32 $0x19000, s3  }
0x8: {  	_ =	strace $0x80000047;
	s5 =	smul.u32 $0x6400, s5;
	s8 =	sshrl.u32 s7, $0x1  }
0x9: {  	s3 =	sadd.s32 $0x19400, s4;
	s6 =	sadd.s32 s6, s4;
	s7 =	ssub.s32 s7, s8  }
0xa: {  	s6 =	sadd.s32 s9, s6;
	s8 =	simm.s32 $0x280;
	s5 =	sshrl.u32 s5, $0x3  }
0xb: {  	s9 =	simm.s32 $0x6400;
	s6 =	sadd.s32 $0x3F1400, s6;
	s5 =	sadd.s32 s5, s4  }
0xc: {  	s4 =	sadd.s32 $0x400, s5;
	s5 =	smax.u32 s7, $0x1;
	s7 =	simm.s32 $0x5  }
.LBB2_1:
0xd: {  	[tilespmem:s2], [sflag:$0x5] =	stream.linear.gather [hbm4b:s4+s2], $0x6400, $0x38;
	[tilespmem:$0x1A400] =	vst v63  }
0xe: {  	_ =	swait.ge [sflag:s7], $0x6400  }
0xf: {  	[sflag:s7] =	ssyncset.done $0x0  }
0x10: {  	s18 =	simm.s32 $0x0;
	s19 =	simm.s32 $0x40;
	[sflag:s7] =	ssyncadd.s32 $0xFFFF9C00  }
.LBB2_2:
0x11: {  	p0 =	sne.s32 s19, $0x18FC0;
	v0 =	vld [tilespmem:s18+$0x0];
	_ =	sdelay $0x4  }
.Ltmp0:
0x12: {  	v1 =	vshll.u32 v0, $0x2;
	(pc) =	sbr.rel @p0 .LBB2_2-.Ltmp0, $4  }
0x13: {  	v2 =	vand.u32 $0xFFFFE000, v0;
	v0 =	vshrl.u32 v0, $0xB;
	v1 =	vand.u32 $0x1FFC, v1  }
0x14: {  	v0 =	vand.u32 $0x3, v0;
	v1 =	vor.u32 v2, v1  }
0x15: {  	v0 =	vor.u32 v0, v1  }
0x16: {  	[tilespmem:s18+$0x0] =	vst v0;
	s18 =	sshra.s32 s19, $0x2;
	s19 =	sadd.s32 $0x40, s19  }
0x17: {  	v0 =	vld [tilespmem:s18+$0x0];
	_ =	sdelay $0x4  }
0x18: {  	v1 =	vshll.u32 v0, $0x2  }
0x19: {  	v2 =	vand.u32 $0xFFFFE000, v0;
	v0 =	vshrl.u32 v0, $0xB;
	v1 =	vand.u32 $0x1FFC, v1  }
0x1a: {  	v0 =	vand.u32 $0x3, v0;
	v1 =	vor.u32 v2, v1  }
0x1b: {  	v0 =	vor.u32 v0, v1  }
0x1c: {  	s25 =	simm.s32 $0x0;
	[tilespmem:s18+$0x0] =	vst v0  }
0x1d: {  	[tilespmem:s9], [sflag:$0x1] =	stream.indirect.gather [hbm4b:s3+s8], $0x20, s25, s8, $0xb8;
	[tilespmem:$0x1A400] =	vst v63  }
0x1e: {  	s26 =	simm.s32 $0x280  }
0x1f: {  	[tilespmem:s10], [sflag:$0x2] =	stream.indirect.gather [hbm4b:s3+s8], $0x20, s26, s8, $0xb8;
	[tilespmem:$0x1A400] =	vst v63  }
0x20: {  	s28 =	simm.s32 $0x500  }
0x21: {  	[tilespmem:s11], [sflag:$0x3] =	stream.indirect.gather [hbm4b:s3+s8], $0x20, s28, s8, $0xb8;
	[tilespmem:$0x1A400] =	vst v63  }
0x22: {  	s29 =	simm.s32 $0x780  }
0x23: {  	[tilespmem:s12], [sflag:$0x4] =	stream.indirect.gather [hbm4b:s3+s8], $0x20, s29, s8, $0xb8;
	[tilespmem:$0x1A400] =	vst v63  }
0x24: {  	_ =	swait.ge [sflag:s13], $0x5000  }
0x25: {  	[sflag:s13] =	ssyncset.done $0x0  }
0x26: {  	s30 =	sadd.s32 $0x0, s6;
	[sflag:s13] =	ssyncadd.s32 $0xFFFFB000  }
0x27: {  	[hbm4b:s30+s2] =	stream.linear.scatter [tilespmem:s9], [sflag:$0x5], $0x5000, $0x38;
	[tilespmem:$0x1A400] =	vst v63  }
0x28: {  	_ =	swait.ge [sflag:s7], $0x5000  }
0x29: {  	[sflag:s7] =	ssyncset.done $0x0  }
0x2a: {  	[sflag:s7] =	ssyncadd.s32 $0xFFFFB000  }
0x2b: {  	_ =	swait.ge [sflag:s14], $0x5000  }
0x2c: {  	[sflag:s14] =	ssyncset.done $0x0  }
0x2d: {  	s19 =	sadd.s32 $0xA00, s30;
	[sflag:s14] =	ssyncadd.s32 $0xFFFFB000  }
0x2e: {  	[hbm4b:s19+s2] =	stream.linear.scatter [tilespmem:s10], [sflag:$0x5], $0x5000, $0x38;
	[tilespmem:$0x1A400] =	vst v63  }
0x2f: {  	_ =	swait.ge [sflag:s7], $0x5000  }
0x30: {  	[sflag:s7] =	ssyncset.done $0x0  }
0x31: {  	[sflag:s7] =	ssyncadd.s32 $0xFFFFB000  }
0x32: {  	_ =	swait.ge [sflag:s15], $0x5000  }
0x33: {  	[sflag:s15] =	ssyncset.done $0x0  }
0x34: {  	s31 =	sadd.s32 $0x1400, s30;
	[sflag:s15] =	ssyncadd.s32 $0xFFFFB000  }
0x35: {  	[hbm4b:s31+s2] =	stream.linear.scatter [tilespmem:s11], [sflag:$0x5], $0x5000, $0x38;
	[tilespmem:$0x1A400] =	vst v63  }
0x36: {  	_ =	swait.ge [sflag:s7], $0x5000  }
0x37: {  	[sflag:s7] =	ssyncset.done $0x0  }
0x38: {  	[sflag:s7] =	ssyncadd.s32 $0xFFFFB000  }
0x39: {  	_ =	swait.ge [sflag:s16], $0x5000  }
0x3a: {  	[sflag:s16] =	ssyncset.done $0x0  }
0x3b: {  	s18 =	sadd.s32 $0x1E00, s30;
	[sflag:s16] =	ssyncadd.s32 $0xFFFFB000  }
0x3c: {  	[hbm4b:s18+s2] =	stream.linear.scatter [tilespmem:s12], [sflag:$0x5], $0x5000, $0x38;
	[tilespmem:$0x1A400] =	vst v63  }
0x3d: {  	_ =	swait.ge [sflag:s7], $0x5000  }
0x3e: {  	s20 =	simm.s32 $0x5000;
	s18 =	simm.s32 $0x2800;
	[sflag:s7] =	ssyncset.done $0x0  }
.LBB2_4:
0x3f: {  	s21 =	sshra.s32 s18, $0x2  }
0x40: {  	[sflag:s7] =	ssyncadd.s32 $0xFFFFB000;
	s22 =	smov.u32 s20;
	s19 =	sadd.s32 $0x2800, s20  }
0x41: {  	[tilespmem:s9], [sflag:$0x1] =	stream.indirect.gather [hbm4b:s3+s8], $0x20, s21, s8, $0xb8;
	[tilespmem:$0x1A400] =	vst v63  }
0x42: {  	p0 =	sne.s32 s20, $0x16800;
	s20 =	sadd.s32 $0x280, s21  }
0x43: {  	[tilespmem:s10], [sflag:$0x2] =	stream.indirect.gather [hbm4b:s3+s8], $0x20, s20, s8, $0xb8;
	[tilespmem:$0x1A400] =	vst v63  }
0x44: {  	s20 =	sadd.s32 $0x500, s21  }
0x45: {  	[tilespmem:s11], [sflag:$0x3] =	stream.indirect.gather [hbm4b:s3+s8], $0x20, s20, s8, $0xb8;
	[tilespmem:$0x1A400] =	vst v63  }
0x46: {  	s20 =	sadd.s32 $0x780, s21  }
0x47: {  	[tilespmem:s12], [sflag:$0x4] =	stream.indirect.gather [hbm4b:s3+s8], $0x20, s20, s8, $0xb8;
	[tilespmem:$0x1A400] =	vst v63  }
0x48: {  	_ =	swait.ge [sflag:s13], $0x5000  }
0x49: {  	[sflag:s13] =	ssyncset.done $0x0  }
0x4a: {  	s20 =	sadd.s32 s18, s6;
	s18 =	smov.u32 s22;
	[sflag:s13] =	ssyncadd.s32 $0xFFFFB000  }
0x4b: {  	[hbm4b:s20+s2] =	stream.linear.scatter [tilespmem:s9], [sflag:$0x5], $0x5000, $0x38;
	[tilespmem:$0x1A400] =	vst v63  }
0x4c: {  	_ =	swait.ge [sflag:s7], $0x5000  }
0x4d: {  	[sflag:s7] =	ssyncset.done $0x0  }
0x4e: {  	[sflag:s7] =	ssyncadd.s32 $0xFFFFB000  }
0x4f: {  	_ =	swait.ge [sflag:s14], $0x5000  }
0x50: {  	[sflag:s14] =	ssyncset.done $0x0  }
0x51: {  	s21 =	sadd.s32 $0xA00, s20;
	[sflag:s14] =	ssyncadd.s32 $0xFFFFB000  }
0x52: {  	[hbm4b:s21+s2] =	stream.linear.scatter [tilespmem:s10], [sflag:$0x5], $0x5000, $0x38;
	[tilespmem:$0x1A400] =	vst v63  }
0x53: {  	_ =	swait.ge [sflag:s7], $0x5000  }
0x54: {  	[sflag:s7] =	ssyncset.done $0x0  }
0x55: {  	[sflag:s7] =	ssyncadd.s32 $0xFFFFB000  }
0x56: {  	_ =	swait.ge [sflag:s15], $0x5000  }
0x57: {  	[sflag:s15] =	ssyncset.done $0x0  }
0x58: {  	s21 =	sadd.s32 $0x1400, s20;
	[sflag:s15] =	ssyncadd.s32 $0xFFFFB000  }
0x59: {  	[hbm4b:s21+s2] =	stream.linear.scatter [tilespmem:s11], [sflag:$0x5], $0x5000, $0x38;
	[tilespmem:$0x1A400] =	vst v63  }
0x5a: {  	_ =	swait.ge [sflag:s7], $0x5000  }
0x5b: {  	[sflag:s7] =	ssyncset.done $0x0  }
0x5c: {  	[sflag:s7] =	ssyncadd.s32 $0xFFFFB000  }
0x5d: {  	_ =	swait.ge [sflag:s16], $0x5000  }
.Ltmp1:
0x5e: {  	[sflag:s16] =	ssyncset.done $0x0;
	(pc) =	sbr.rel @p0 .LBB2_4-.Ltmp1, $4  }
0x5f: {  	s20 =	sadd.s32 $0x1E00, s20;
	[sflag:s16] =	ssyncadd.s32 $0xFFFFB000  }
0x60: {  	[hbm4b:s20+s2] =	stream.linear.scatter [tilespmem:s12], [sflag:$0x5], $0x5000, $0x38;
	[tilespmem:$0x1A400] =	vst v63  }
0x61: {  	_ =	swait.ge [sflag:s7], $0x5000  }
0x62: {  	s20 =	smov.u32 s19;
	[sflag:s7] =	ssyncset.done $0x0  }
0x63: {  	s19 =	sshra.s32 s18, $0x2;
	[sflag:s7] =	ssyncadd.s32 $0xFFFFB000  }
0x64: {  	[tilespmem:s9], [sflag:$0x1] =	stream.indirect.gather [hbm4b:s3+s8], $0x20, s19, s8, $0xb8;
	[tilespmem:$0x1A400] =	vst v63  }
0x65: {  	s20 =	sadd.s32 $0x280, s19  }
0x66: {  	[tilespmem:s10], [sflag:$0x2] =	stream.indirect.gather [hbm4b:s3+s8], $0x20, s20, s8, $0xb8;
	[tilespmem:$0x1A400] =	vst v63  }
0x67: {  	s28 =	sadd.s32 $0x500, s19  }
0x68: {  	[tilespmem:s11], [sflag:$0x3] =	stream.indirect.gather [hbm4b:s3+s8], $0x20, s28, s8, $0xb8;
	[tilespmem:$0x1A400] =	vst v63  }
0x69: {  	s19 =	sadd.s32 $0x780, s19  }
0x6a: {  	[tilespmem:s12], [sflag:$0x4] =	stream.indirect.gather [hbm4b:s3+s8], $0x20, s19, s8, $0xb8;
	[tilespmem:$0x1A400] =	vst v63  }
0x6b: {  	_ =	swait.ge [sflag:s13], $0x5000  }
0x6c: {  	[sflag:s13] =	ssyncset.done $0x0  }
0x6d: {  	s29 =	sadd.s32 s18, s6;
	[sflag:s13] =	ssyncadd.s32 $0xFFFFB000  }
0x6e: {  	[hbm4b:s29+s2] =	stream.linear.scatter [tilespmem:s9], [sflag:$0x5], $0x5000, $0x38;
	[tilespmem:$0x1A400] =	vst v63  }
0x6f: {  	_ =	swait.ge [sflag:s7], $0x5000  }
0x70: {  	[sflag:s7] =	ssyncset.done $0x0  }
0x71: {  	[sflag:s7] =	ssyncadd.s32 $0xFFFFB000  }
0x72: {  	_ =	swait.ge [sflag:s14], $0x5000  }
0x73: {  	[sflag:s14] =	ssyncset.done $0x0  }
0x74: {  	s30 =	sadd.s32 $0xA00, s29;
	[sflag:s14] =	ssyncadd.s32 $0xFFFFB000  }
0x75: {  	[hbm4b:s30+s2] =	stream.linear.scatter [tilespmem:s10], [sflag:$0x5], $0x5000, $0x38;
	[tilespmem:$0x1A400] =	vst v63  }
0x76: {  	_ =	swait.ge [sflag:s7], $0x5000  }
0x77: {  	[sflag:s7] =	ssyncset.done $0x0  }
0x78: {  	[sflag:s7] =	ssyncadd.s32 $0xFFFFB000  }
0x79: {  	_ =	swait.ge [sflag:s15], $0x5000  }
0x7a: {  	[sflag:s15] =	ssyncset.done $0x0  }
0x7b: {  	s31 =	sadd.s32 $0x1400, s29;
	[sflag:s15] =	ssyncadd.s32 $0xFFFFB000  }
0x7c: {  	[hbm4b:s31+s2] =	stream.linear.scatter [tilespmem:s11], [sflag:$0x5], $0x5000, $0x38;
	[tilespmem:$0x1A400] =	vst v63  }
0x7d: {  	_ =	swait.ge [sflag:s7], $0x5000  }
0x7e: {  	[sflag:s7] =	ssyncset.done $0x0  }
0x7f: {  	[sflag:s7] =	ssyncadd.s32 $0xFFFFB000  }
0x80: {  	s17 =	sadd.s32 $0x1, s17;
	_ =	swait.ge [sflag:s16], $0x5000  }
0x81: {  	p0 =	sne.s32 s17, s5;
	[sflag:s16] =	ssyncset.done $0x0  }
.Ltmp2:
0x82: {  	s18 =	sadd.s32 $0x1E00, s29;
	[sflag:s16] =	ssyncadd.s32 $0xFFFFB000;
	(pc) =	sbr.rel @p0 .LBB2_1-.Ltmp2, $4  }
0x83: {  	[hbm4b:s18+s2] =	stream.linear.scatter [tilespmem:s12], [sflag:$0x5], $0x5000, $0x38;
	[tilespmem:$0x1A400] =	vst v63  }
0x84: {  	_ =	swait.ge [sflag:s7], $0x5000  }
0x85: {  	[sflag:s7] =	ssyncset.done $0x0  }
0x86: {  	[sflag:s7] =	ssyncadd.s32 $0xFFFFB000  }
0x87: {  	_ =	sfence.sel $0x180000  }
0x88: {  	[bflag:$0x0] =	sbarrier.arrive $0xFFFF  }
0x89: {  	p0 =	sne.s32 s0, $0x0;
	_ =	strace $0x90000047  }
0x8a: {  	s0 =	sadd.s32 @!p0 $0x100000, s1;
	[bflag:$0x2] =	sbarrier.arrive $0xFFFF  }
0x8b: {  	[sflag:s0] =	ssyncadd.tile.s32 @!p0 $0x1;
	_ =	shalt  }
.Lfunc_end2:
_tile_overlayer_lowered:
.L_overlay_start_2:
0x8c: {  	(tag) =	ssettag $0x2  }
0x8d: {  	s0 =	rddreg [dreg:$0x0];
	s2 =	stileid.u32  }
0x8e: {  	s1 =	rddreg [dreg:$0x1];
	p0 =	sne.s32 s2, $0x0  }
0x8f: {  	s3 =	rddreg [dreg:$0x2];
	[bflag:$0x3] =	sbarrier.arrive $0xFFFF;
	s2 =	simm.s32 @!p0 $0x1C05  }
0x90: {  	[timem:s3], [sflag:s2] =	dma.local @!p0 [hbm:s0], s1  }
0x91: {  	s0 =	simm.s32 @!p0 $0x5  }
0x92: {  	_ =	swait.ge @!p0 [sflag:s0], s1  }
0x93: {  	s1 =	ssub.s32 @!p0 $0x0, s1;
	[sflag:s0] =	ssyncset.done @!p0 $0x0  }
0x94: {  	[sflag:s0] =	ssyncadd.s32 @!p0 s1  }
0x95: {  	[bflag:$0x3] =	sbarrier.arrive $0xFFFF  }
0x96: {  	_ =	shalt  }

</sc_bundles>
